<compile_context>
chip_gen: v7x
topology: tpu7x:2x2x1
jax: 0.10.2.dev20260603
libtpu: 0.0.44.dev20260713+nightly
codegen_flags: <defaults>
</compile_context>

<pallas_src>
import functools

import jax
import jax.numpy as jnp
from jax import lax
from jax.experimental import pallas as pl
from jax.experimental.pallas import tpu as pltpu
from jax.experimental.pallas import tpu_sc as plsc

_POOL_SIZE = 1000
_LENGTH = 4
_EMBED_DIM = 128
_BATCH = 16384
_TOP_K = 5

_J = _TOP_K * _LENGTH
_ROWS = _POOL_SIZE * _LENGTH
_N_TOTAL = _BATCH * _J
_NC, _NS = 2, 16
_NW = _NC * _NS
_PER_W = _N_TOTAL // _NW
_CHUNK = 128
_N_CHUNKS = _PER_W // _CHUNK
_STAGE = 256

_mesh = plsc.VectorSubcoreMesh(
    core_axis_name="c", subcore_axis_name="s",
    num_cores=_NC, num_subcores=_NS,
)

_NBUF = 4


@functools.partial(
    pl.kernel,
    out_type=jax.ShapeDtypeStruct((_J, _BATCH, _EMBED_DIM), jnp.float32),
    mesh=_mesh,
    scratch_types=[
        pltpu.VMEM((_N_CHUNKS, _CHUNK), jnp.int32),
        [pltpu.VMEM((_CHUNK, _EMBED_DIM), jnp.float32) for _ in range(_NBUF)],
        [pltpu.SemaphoreType.DMA for _ in range(_NBUF)],
        pltpu.VMEM_SHARED((_ROWS, _EMBED_DIM), jnp.float32),
    ],
)
def _gather_rows(idx_hbm, table_hbm, out_hbm, idx_v, bufs, sems, table_sp):
    sid = lax.axis_index("s")
    wid = sid * _NC + lax.axis_index("c")
    pltpu.sync_copy(idx_hbm.at[wid], idx_v)
    base = wid * _PER_W
    out_flat = out_hbm.reshape(_N_TOTAL, _EMBED_DIM)

    @pl.when(sid < _NS - 1)
    def _():
        pltpu.sync_copy(
            table_hbm.at[pl.ds(sid * _STAGE, _STAGE)],
            table_sp.at[pl.ds(sid * _STAGE, _STAGE)],
        )

    @pl.when(sid == _NS - 1)
    def _():
        pltpu.sync_copy(
            table_hbm.at[pl.ds((_NS - 1) * _STAGE, _ROWS - (_NS - 1) * _STAGE)],
            table_sp.at[pl.ds((_NS - 1) * _STAGE, _ROWS - (_NS - 1) * _STAGE)],
        )

    plsc.subcore_barrier()

    for b in range(_NBUF):
        pltpu.async_copy(table_sp.at[idx_v.at[b]], bufs[b], sems[b])

    @pl.loop(0, _N_CHUNKS - _NBUF, step=_NBUF)
    def _(g):
        for b in range(_NBUF):
            c = g + b
            pltpu.make_async_copy(table_sp.at[idx_v.at[c]], bufs[b], sems[b]).wait()
            pltpu.sync_copy(bufs[b], out_flat.at[pl.ds(base + c * _CHUNK, _CHUNK)])
            pltpu.async_copy(table_sp.at[idx_v.at[c + _NBUF]], bufs[b], sems[b])

    for b in range(_NBUF):
        c = _N_CHUNKS - _NBUF + b
        pltpu.make_async_copy(table_sp.at[idx_v.at[c]], bufs[b], sems[b]).wait()
        pltpu.sync_copy(bufs[b], out_flat.at[pl.ds(base + c * _CHUNK, _CHUNK)])


def kernel(prompt_mask, prompt):
    idx = prompt_mask.astype(jnp.int32)
    sub = jnp.arange(_LENGTH, dtype=jnp.int32)
    eidx = idx[:, :, None] * _LENGTH + sub[None, None, :]
    eidx_w = eidx.reshape(_BATCH, _J).T.reshape(_NW, _N_CHUNKS, _CHUNK)
    table = prompt.reshape(_ROWS, _EMBED_DIM)
    out_t = _gather_rows(eidx_w, table)
    return out_t.transpose(1, 0, 2)

# --- scband reference (transcript-rebuilt; emitter-appended) ---
"""Pipeline reference for scband-pool2-74620761801421 (READ-ONLY COPY).

The authoritative reference and input builder live on the scoring server;
editing this copy changes nothing except your own understanding.
"""

import jax, jax.numpy as jnp
import numpy as np

POOL_SIZE = 1000
LENGTH = 4
EMBED_DIM = 128
BATCH = 16384
TOP_K = 5


def setup_inputs(seed: int = 0) -> dict:
    key = jax.random.key(seed)
    k1, k2 = jax.random.split(key)
    prompt_mask = jax.random.randint(k1, (BATCH, TOP_K), 0, POOL_SIZE, dtype=jnp.int64 if jax.config.jax_enable_x64 else jnp.int32)
    # prompt_init='uniform' -> uniform(-1, 1)
    prompt = jax.random.uniform(k2, (POOL_SIZE, LENGTH, EMBED_DIM), dtype=jnp.float32, minval=-1.0, maxval=1.0)
    return {"prompt_mask": prompt_mask, "prompt": prompt}


def reference(prompt_mask, prompt):
    # prompt_pool=True branch of Pool2.forward
    idx = prompt_mask  # [B, top_k]
    batched_prompt_raw = jnp.take(prompt, idx, axis=0)  # [B, top_k, length, embed_dim]
    batch_size, top_k, length, c = batched_prompt_raw.shape
    batched_prompt = batched_prompt_raw.reshape(batch_size, top_k * length, c)
    # out dict carried prompt_idx, total_prompt_len, batched_prompt; the tensor output is batched_prompt
    return batched_prompt

if __name__ == "__main__":
    import jax
    _d = setup_inputs()
    print(jax.jit(kernel)(*tuple(_d.values())))

</pallas_src>

<mosaic_0001>
#map = affine_map<(d0, d1) -> (0, 0, 0)>
#map1 = affine_map<(d0, d1) -> (0, 0)>
module attributes {stable_mosaic.version = 14 : i64} {
  func.func @_gather_rows(%arg0: i32, %arg1: i32, %arg2: memref<32x80x128xi32, #tpu.memory_space<hbm>>, %arg3: memref<4000x128xf32, #tpu.memory_space<hbm>>, %arg4: memref<20x16384x128xf32, #tpu.memory_space<hbm>>, %arg5: memref<80x128xi32, #tpu.memory_space<vmem>>, %arg6: memref<128x128xf32, #tpu.memory_space<vmem>>, %arg7: memref<128x128xf32, #tpu.memory_space<vmem>>, %arg8: memref<128x128xf32, #tpu.memory_space<vmem>>, %arg9: memref<128x128xf32, #tpu.memory_space<vmem>>, %arg10: memref<!tpu.dma_semaphore, #tpu.memory_space<semaphore_mem>>, %arg11: memref<!tpu.dma_semaphore, #tpu.memory_space<semaphore_mem>>, %arg12: memref<!tpu.dma_semaphore, #tpu.memory_space<semaphore_mem>>, %arg13: memref<!tpu.dma_semaphore, #tpu.memory_space<semaphore_mem>>, %arg14: memref<4000x128xf32, #tpu.memory_space<vmem_shared>>) attributes {dimension_semantics = [#tpu.dimension_semantics<core_parallel>, #tpu.dimension_semantics<subcore_parallel>], iteration_bounds = array<i64: 2, 16>, scalar_prefetch = 0 : i64, scratch_operands = 10 : i64, tpu.core_type = #tpu.core_type<sc_vector_subcore>, window_params = [{transform_indices = #map}, {transform_indices = #map1}, {transform_indices = #map}]} {
    %mul3A = arith.constant 2 : i32
    %mul3A_0 = arith.muli %arg1, %mul3A : i32
    %add3A = arith.addi %mul3A_0, %arg0 : i32
    "tpu.region"() ({
      %run_scoped3A = tpu.sem_alloc : memref<!tpu.dma_semaphore, #tpu.memory_space<semaphore_mem>>
      %dma_start3A_75 = arith.constant 0 : i32
      %dma_start3A_76 = arith.constant 0 : i32
      %dma_start3A_77 = tpu.memref_slice %arg2[%add3A, %dma_start3A_75, %dma_start3A_76] : memref<32x80x128xi32, #tpu.memory_space<hbm>> -> memref<1x80x128xi32, #tpu.memory_space<hbm>>
      %dma_start3A_78 = tpu.memref_squeeze %dma_start3A_77 : memref<1x80x128xi32, #tpu.memory_space<hbm>> -> memref<80x128xi32, #tpu.memory_space<hbm>>
      %dma_start3A_79 = arith.constant 0 : i32
      %dma_start3A_80 = arith.constant 0 : i32
      %dma_start3A_81 = tpu.memref_slice %arg2[%add3A, %dma_start3A_79, %dma_start3A_80] : memref<32x80x128xi32, #tpu.memory_space<hbm>> -> memref<1x80x128xi32, #tpu.memory_space<hbm>>
      %dma_start3A_82 = tpu.memref_squeeze %dma_start3A_81 : memref<1x80x128xi32, #tpu.memory_space<hbm>> -> memref<80x128xi32, #tpu.memory_space<hbm>>
      tpu.enqueue_dma source(%dma_start3A_82 : memref<80x128xi32, #tpu.memory_space<hbm>>) target(%arg5 : memref<80x128xi32, #tpu.memory_space<vmem>>) target_semaphore(%run_scoped3A : memref<!tpu.dma_semaphore, #tpu.memory_space<semaphore_mem>>)
      %dma_wait3A_83 = arith.constant 0 : i32
      %dma_wait3A_84 = arith.constant 0 : i32
      %dma_wait3A_85 = tpu.memref_slice %arg2[%add3A, %dma_wait3A_83, %dma_wait3A_84] : memref<32x80x128xi32, #tpu.memory_space<hbm>> -> memref<1x80x128xi32, #tpu.memory_space<hbm>>
      %dma_wait3A_86 = tpu.memref_squeeze %dma_wait3A_85 : memref<1x80x128xi32, #tpu.memory_space<hbm>> -> memref<80x128xi32, #tpu.memory_space<hbm>>
      %dma_wait3A_87 = arith.constant 0 : i32
      %dma_wait3A_88 = arith.constant 0 : i32
      %dma_wait3A_89 = tpu.memref_slice %arg2[%add3A, %dma_wait3A_87, %dma_wait3A_88] : memref<32x80x128xi32, #tpu.memory_space<hbm>> -> memref<1x80x128xi32, #tpu.memory_space<hbm>>
      %dma_wait3A_90 = tpu.memref_squeeze %dma_wait3A_89 : memref<1x80x128xi32, #tpu.memory_space<hbm>> -> memref<80x128xi32, #tpu.memory_space<hbm>>
      tpu.wait_dma2 semaphore(%run_scoped3A : memref<!tpu.dma_semaphore, #tpu.memory_space<semaphore_mem>>) src(%dma_wait3A_90 : memref<80x128xi32, #tpu.memory_space<hbm>>) dst(%arg5 : memref<80x128xi32, #tpu.memory_space<vmem>>)
      tpu.yield
    }) : () -> ()
    %mul3A_1 = arith.constant 10240 : i32
    %mul3A_2 = arith.muli %add3A, %mul3A_1 : i32
    %lt3A = arith.constant 15 : i32
    %lt3A_3 = arith.cmpi slt, %arg1, %lt3A : i32
    %convert_element_type3A = arith.extui %lt3A_3 : i1 to i32
    %cond3A = arith.constant 0 : i32
    %cond3A_4 = arith.cmpi ne, %convert_element_type3A, %cond3A : i32
    scf.if %cond3A_4 {
      %mul3A_75 = arith.constant 256 : i32
      %mul3A_76 = arith.muli %arg1, %mul3A_75 : i32
      %mul3A_77 = arith.constant 256 : i32
      %mul3A_78 = arith.muli %arg1, %mul3A_77 : i32
      "tpu.region"() ({
        %run_scoped3A = tpu.sem_alloc : memref<!tpu.dma_semaphore, #tpu.memory_space<semaphore_mem>>
        %dma_start3A_79 = arith.constant 0 : i32
        %dma_start3A_80 = tpu.memref_slice %arg14[%mul3A_78, %dma_start3A_79] : memref<4000x128xf32, #tpu.memory_space<vmem_shared>> -> memref<256x128xf32, #tpu.memory_space<vmem_shared>>
        %dma_start3A_81 = arith.constant 0 : i32
        %dma_start3A_82 = tpu.memref_slice %arg3[%mul3A_76, %dma_start3A_81] : memref<4000x128xf32, #tpu.memory_space<hbm>> -> memref<256x128xf32, #tpu.memory_space<hbm>>
        tpu.enqueue_dma source(%dma_start3A_82 : memref<256x128xf32, #tpu.memory_space<hbm>>) target(%dma_start3A_80 : memref<256x128xf32, #tpu.memory_space<vmem_shared>>) target_semaphore(%run_scoped3A : memref<!tpu.dma_semaphore, #tpu.memory_space<semaphore_mem>>)
        %dma_wait3A_83 = arith.constant 0 : i32
        %dma_wait3A_84 = tpu.memref_slice %arg14[%mul3A_78, %dma_wait3A_83] : memref<4000x128xf32, #tpu.memory_space<vmem_shared>> -> memref<256x128xf32, #tpu.memory_space<vmem_shared>>
        %dma_wait3A_85 = arith.constant 0 : i32
        %dma_wait3A_86 = tpu.memref_slice %arg3[%mul3A_76, %dma_wait3A_85] : memref<4000x128xf32, #tpu.memory_space<hbm>> -> memref<256x128xf32, #tpu.memory_space<hbm>>
        tpu.wait_dma2 semaphore(%run_scoped3A : memref<!tpu.dma_semaphore, #tpu.memory_space<semaphore_mem>>) src(%dma_wait3A_86 : memref<256x128xf32, #tpu.memory_space<hbm>>) dst(%dma_wait3A_84 : memref<256x128xf32, #tpu.memory_space<vmem_shared>>)
        tpu.yield
      }) : () -> ()
    } else {
    }
    %eq3A = arith.constant 15 : i32
    %eq3A_5 = arith.cmpi eq, %arg1, %eq3A : i32
    %convert_element_type3A_6 = arith.extui %eq3A_5 : i1 to i32
    %cond3A_7 = arith.constant 0 : i32
    %cond3A_8 = arith.cmpi ne, %convert_element_type3A_6, %cond3A_7 : i32
    scf.if %cond3A_8 {
      "tpu.region"() ({
        %run_scoped3A = tpu.sem_alloc : memref<!tpu.dma_semaphore, #tpu.memory_space<semaphore_mem>>
        %dma_start3A_75 = arith.constant 3840 : i32
        %dma_start3A_76 = arith.constant 0 : i32
        %dma_start3A_77 = tpu.memref_slice %arg14[%dma_start3A_75, %dma_start3A_76] : memref<4000x128xf32, #tpu.memory_space<vmem_shared>> -> memref<160x128xf32, #tpu.memory_space<vmem_shared>>
        %dma_start3A_78 = arith.constant 3840 : i32
        %dma_start3A_79 = arith.constant 0 : i32
        %dma_start3A_80 = tpu.memref_slice %arg3[%dma_start3A_78, %dma_start3A_79] : memref<4000x128xf32, #tpu.memory_space<hbm>> -> memref<160x128xf32, #tpu.memory_space<hbm>>
        tpu.enqueue_dma source(%dma_start3A_80 : memref<160x128xf32, #tpu.memory_space<hbm>>) target(%dma_start3A_77 : memref<160x128xf32, #tpu.memory_space<vmem_shared>>) target_semaphore(%run_scoped3A : memref<!tpu.dma_semaphore, #tpu.memory_space<semaphore_mem>>)
        %dma_wait3A_81 = arith.constant 3840 : i32
        %dma_wait3A_82 = arith.constant 0 : i32
        %dma_wait3A_83 = tpu.memref_slice %arg14[%dma_wait3A_81, %dma_wait3A_82] : memref<4000x128xf32, #tpu.memory_space<vmem_shared>> -> memref<160x128xf32, #tpu.memory_space<vmem_shared>>
        %dma_wait3A_84 = arith.constant 3840 : i32
        %dma_wait3A_85 = arith.constant 0 : i32
        %dma_wait3A_86 = tpu.memref_slice %arg3[%dma_wait3A_84, %dma_wait3A_85] : memref<4000x128xf32, #tpu.memory_space<hbm>> -> memref<160x128xf32, #tpu.memory_space<hbm>>
        tpu.wait_dma2 semaphore(%run_scoped3A : memref<!tpu.dma_semaphore, #tpu.memory_space<semaphore_mem>>) src(%dma_wait3A_86 : memref<160x128xf32, #tpu.memory_space<hbm>>) dst(%dma_wait3A_83 : memref<160x128xf32, #tpu.memory_space<vmem_shared>>)
        tpu.yield
      }) : () -> ()
    } else {
    }
    %barrier3A = arith.constant 0 : index
    tpu.barrier barrier_id(%barrier3A)
    %dma_start3A = arith.constant 0 : i32
    %dma_start3A_9 = arith.constant 0 : i32
    %dma_start3A_10 = tpu.memref_slice %arg5[%dma_start3A, %dma_start3A_9] : memref<80x128xi32, #tpu.memory_space<vmem>> -> memref<1x128xi32, #tpu.memory_space<vmem>>
    %dma_start3A_11 = tpu.memref_squeeze %dma_start3A_10 : memref<1x128xi32, #tpu.memory_space<vmem>> -> memref<128xi32, #tpu.memory_space<vmem>>
    %dma_start3A_12 = arith.constant 0 : i32
    %dma_start3A_13 = arith.constant 0 : i32
    %dma_start3A_14 = tpu.memref_slice %arg14[%dma_start3A_12, %dma_start3A_13] : memref<4000x128xf32, #tpu.memory_space<vmem_shared>> -> memref<4000x128xf32, #tpu.memory_space<vmem_shared>>
    tpu.enqueue_indirect_dma source(%dma_start3A_14 : memref<4000x128xf32, #tpu.memory_space<vmem_shared>>) target(%arg6 : memref<128x128xf32, #tpu.memory_space<vmem>>) offsets(%dma_start3A_11 : memref<128xi32, #tpu.memory_space<vmem>>) semaphore(%arg10 : memref<!tpu.dma_semaphore, #tpu.memory_space<semaphore_mem>>)
    %dma_start3A_15 = arith.constant 1 : i32
    %dma_start3A_16 = arith.constant 0 : i32
    %dma_start3A_17 = tpu.memref_slice %arg5[%dma_start3A_15, %dma_start3A_16] : memref<80x128xi32, #tpu.memory_space<vmem>> -> memref<1x128xi32, #tpu.memory_space<vmem>>
    %dma_start3A_18 = tpu.memref_squeeze %dma_start3A_17 : memref<1x128xi32, #tpu.memory_space<vmem>> -> memref<128xi32, #tpu.memory_space<vmem>>
    %dma_start3A_19 = arith.constant 0 : i32
    %dma_start3A_20 = arith.constant 0 : i32
    %dma_start3A_21 = tpu.memref_slice %arg14[%dma_start3A_19, %dma_start3A_20] : memref<4000x128xf32, #tpu.memory_space<vmem_shared>> -> memref<4000x128xf32, #tpu.memory_space<vmem_shared>>
    tpu.enqueue_indirect_dma source(%dma_start3A_21 : memref<4000x128xf32, #tpu.memory_space<vmem_shared>>) target(%arg7 : memref<128x128xf32, #tpu.memory_space<vmem>>) offsets(%dma_start3A_18 : memref<128xi32, #tpu.memory_space<vmem>>) semaphore(%arg11 : memref<!tpu.dma_semaphore, #tpu.memory_space<semaphore_mem>>)
    %dma_start3A_22 = arith.constant 2 : i32
    %dma_start3A_23 = arith.constant 0 : i32
    %dma_start3A_24 = tpu.memref_slice %arg5[%dma_start3A_22, %dma_start3A_23] : memref<80x128xi32, #tpu.memory_space<vmem>> -> memref<1x128xi32, #tpu.memory_space<vmem>>
    %dma_start3A_25 = tpu.memref_squeeze %dma_start3A_24 : memref<1x128xi32, #tpu.memory_space<vmem>> -> memref<128xi32, #tpu.memory_space<vmem>>
    %dma_start3A_26 = arith.constant 0 : i32
    %dma_start3A_27 = arith.constant 0 : i32
    %dma_start3A_28 = tpu.memref_slice %arg14[%dma_start3A_26, %dma_start3A_27] : memref<4000x128xf32, #tpu.memory_space<vmem_shared>> -> memref<4000x128xf32, #tpu.memory_space<vmem_shared>>
    tpu.enqueue_indirect_dma source(%dma_start3A_28 : memref<4000x128xf32, #tpu.memory_space<vmem_shared>>) target(%arg8 : memref<128x128xf32, #tpu.memory_space<vmem>>) offsets(%dma_start3A_25 : memref<128xi32, #tpu.memory_space<vmem>>) semaphore(%arg12 : memref<!tpu.dma_semaphore, #tpu.memory_space<semaphore_mem>>)
    %dma_start3A_29 = arith.constant 3 : i32
    %dma_start3A_30 = arith.constant 0 : i32
    %dma_start3A_31 = tpu.memref_slice %arg5[%dma_start3A_29, %dma_start3A_30] : memref<80x128xi32, #tpu.memory_space<vmem>> -> memref<1x128xi32, #tpu.memory_space<vmem>>
    %dma_start3A_32 = tpu.memref_squeeze %dma_start3A_31 : memref<1x128xi32, #tpu.memory_space<vmem>> -> memref<128xi32, #tpu.memory_space<vmem>>
    %dma_start3A_33 = arith.constant 0 : i32
    %dma_start3A_34 = arith.constant 0 : i32
    %dma_start3A_35 = tpu.memref_slice %arg14[%dma_start3A_33, %dma_start3A_34] : memref<4000x128xf32, #tpu.memory_space<vmem_shared>> -> memref<4000x128xf32, #tpu.memory_space<vmem_shared>>
    tpu.enqueue_indirect_dma source(%dma_start3A_35 : memref<4000x128xf32, #tpu.memory_space<vmem_shared>>) target(%arg9 : memref<128x128xf32, #tpu.memory_space<vmem>>) offsets(%dma_start3A_32 : memref<128xi32, #tpu.memory_space<vmem>>) semaphore(%arg13 : memref<!tpu.dma_semaphore, #tpu.memory_space<semaphore_mem>>)
    %scan3A = arith.constant 0 : i32
    %scan3A_36 = arith.constant 19 : i32
    %scan3A_37 = arith.addi %scan3A, %scan3A_36 : i32
    %scan3A_38 = arith.constant 1 : i32
    scf.for %scan3A_75 = %scan3A to %scan3A_37 step %scan3A_38  : i32 {
      %mul3A_76 = arith.constant 4 : i32
      %mul3A_77 = arith.muli %scan3A_75, %mul3A_76 : i32
      %add3A_78 = arith.constant 0 : i32
      %add3A_79 = arith.addi %add3A_78, %mul3A_77 : i32
      %add3A_80 = arith.constant 0 : i32
      %add3A_81 = arith.addi %add3A_79, %add3A_80 : i32
      %dma_wait3A_82 = arith.constant 0 : i32
      %dma_wait3A_83 = tpu.memref_slice %arg5[%add3A_81, %dma_wait3A_82] : memref<80x128xi32, #tpu.memory_space<vmem>> -> memref<1x128xi32, #tpu.memory_space<vmem>>
      %dma_wait3A_84 = tpu.memref_squeeze %dma_wait3A_83 : memref<1x128xi32, #tpu.memory_space<vmem>> -> memref<128xi32, #tpu.memory_space<vmem>>
      %dma_wait3A_85 = arith.constant 0 : i32
      %dma_wait3A_86 = arith.constant 0 : i32
      %dma_wait3A_87 = tpu.memref_slice %arg14[%dma_wait3A_85, %dma_wait3A_86] : memref<4000x128xf32, #tpu.memory_space<vmem_shared>> -> memref<4000x128xf32, #tpu.memory_space<vmem_shared>>
      tpu.wait_indirect_dma semaphore(%arg10 : memref<!tpu.dma_semaphore, #tpu.memory_space<semaphore_mem>>) src(%dma_wait3A_87 : memref<4000x128xf32, #tpu.memory_space<vmem_shared>>) dst(%arg6 : memref<128x128xf32, #tpu.memory_space<vmem>>)
      %mul3A_88 = arith.constant 128 : i32
      %mul3A_89 = arith.muli %add3A_81, %mul3A_88 : i32
      %add3A_90 = arith.addi %mul3A_2, %mul3A_89 : i32
      "tpu.region"() ({
        %run_scoped3A = tpu.sem_alloc : memref<!tpu.dma_semaphore, #tpu.memory_space<semaphore_mem>>
        %dma_start3A_156 = tpu.memref_reshape %arg4 : memref<20x16384x128xf32, #tpu.memory_space<hbm>> -> memref<327680x128xf32, #tpu.memory_space<hbm>>
        %dma_start3A_157 = arith.constant 0 : i32
        %dma_start3A_158 = tpu.memref_slice %dma_start3A_156[%add3A_90, %dma_start3A_157] : memref<327680x128xf32, #tpu.memory_space<hbm>> -> memref<128x128xf32, #tpu.memory_space<hbm>>
        %dma_start3A_159 = tpu.memref_reshape %arg4 : memref<20x16384x128xf32, #tpu.memory_space<hbm>> -> memref<327680x128xf32, #tpu.memory_space<hbm>>
        %dma_start3A_160 = arith.constant 0 : i32
        %dma_start3A_161 = tpu.memref_slice %dma_start3A_159[%add3A_90, %dma_start3A_160] : memref<327680x128xf32, #tpu.memory_space<hbm>> -> memref<128x128xf32, #tpu.memory_space<hbm>>
        tpu.enqueue_dma source(%arg6 : memref<128x128xf32, #tpu.memory_space<vmem>>) target(%dma_start3A_161 : memref<128x128xf32, #tpu.memory_space<hbm>>) target_semaphore(%run_scoped3A : memref<!tpu.dma_semaphore, #tpu.memory_space<semaphore_mem>>)
        %dma_wait3A_162 = tpu.memref_reshape %arg4 : memref<20x16384x128xf32, #tpu.memory_space<hbm>> -> memref<327680x128xf32, #tpu.memory_space<hbm>>
        %dma_wait3A_163 = arith.constant 0 : i32
        %dma_wait3A_164 = tpu.memref_slice %dma_wait3A_162[%add3A_90, %dma_wait3A_163] : memref<327680x128xf32, #tpu.memory_space<hbm>> -> memref<128x128xf32, #tpu.memory_space<hbm>>
        %dma_wait3A_165 = tpu.memref_reshape %arg4 : memref<20x16384x128xf32, #tpu.memory_space<hbm>> -> memref<327680x128xf32, #tpu.memory_space<hbm>>
        %dma_wait3A_166 = arith.constant 0 : i32
        %dma_wait3A_167 = tpu.memref_slice %dma_wait3A_165[%add3A_90, %dma_wait3A_166] : memref<327680x128xf32, #tpu.memory_space<hbm>> -> memref<128x128xf32, #tpu.memory_space<hbm>>
        tpu.wait_dma2 semaphore(%run_scoped3A : memref<!tpu.dma_semaphore, #tpu.memory_space<semaphore_mem>>) src(%arg6 : memref<128x128xf32, #tpu.memory_space<vmem>>) dst(%dma_wait3A_167 : memref<128x128xf32, #tpu.memory_space<hbm>>)
        tpu.yield
      }) : () -> ()
      %add3A_91 = arith.constant 4 : i32
      %add3A_92 = arith.addi %add3A_81, %add3A_91 : i32
      %dma_start3A_93 = arith.constant 0 : i32
      %dma_start3A_94 = tpu.memref_slice %arg5[%add3A_92, %dma_start3A_93] : memref<80x128xi32, #tpu.memory_space<vmem>> -> memref<1x128xi32, #tpu.memory_space<vmem>>
      %dma_start3A_95 = tpu.memref_squeeze %dma_start3A_94 : memref<1x128xi32, #tpu.memory_space<vmem>> -> memref<128xi32, #tpu.memory_space<vmem>>
      %dma_start3A_96 = arith.constant 0 : i32
      %dma_start3A_97 = arith.constant 0 : i32
      %dma_start3A_98 = tpu.memref_slice %arg14[%dma_start3A_96, %dma_start3A_97] : memref<4000x128xf32, #tpu.memory_space<vmem_shared>> -> memref<4000x128xf32, #tpu.memory_space<vmem_shared>>
      tpu.enqueue_indirect_dma source(%dma_start3A_98 : memref<4000x128xf32, #tpu.memory_space<vmem_shared>>) target(%arg6 : memref<128x128xf32, #tpu.memory_space<vmem>>) offsets(%dma_start3A_95 : memref<128xi32, #tpu.memory_space<vmem>>) semaphore(%arg10 : memref<!tpu.dma_semaphore, #tpu.memory_space<semaphore_mem>>)
      %add3A_99 = arith.constant 1 : i32
      %add3A_100 = arith.addi %add3A_79, %add3A_99 : i32
      %dma_wait3A_101 = arith.constant 0 : i32
      %dma_wait3A_102 = tpu.memref_slice %arg5[%add3A_100, %dma_wait3A_101] : memref<80x128xi32, #tpu.memory_space<vmem>> -> memref<1x128xi32, #tpu.memory_space<vmem>>
      %dma_wait3A_103 = tpu.memref_squeeze %dma_wait3A_102 : memref<1x128xi32, #tpu.memory_space<vmem>> -> memref<128xi32, #tpu.memory_space<vmem>>
      %dma_wait3A_104 = arith.constant 0 : i32
      %dma_wait3A_105 = arith.constant 0 : i32
      %dma_wait3A_106 = tpu.memref_slice %arg14[%dma_wait3A_104, %dma_wait3A_105] : memref<4000x128xf32, #tpu.memory_space<vmem_shared>> -> memref<4000x128xf32, #tpu.memory_space<vmem_shared>>
      tpu.wait_indirect_dma semaphore(%arg11 : memref<!tpu.dma_semaphore, #tpu.memory_space<semaphore_mem>>) src(%dma_wait3A_106 : memref<4000x128xf32, #tpu.memory_space<vmem_shared>>) dst(%arg7 : memref<128x128xf32, #tpu.memory_space<vmem>>)
      %mul3A_107 = arith.constant 128 : i32
      %mul3A_108 = arith.muli %add3A_100, %mul3A_107 : i32
      %add3A_109 = arith.addi %mul3A_2, %mul3A_108 : i32
      "tpu.region"() ({
        %run_scoped3A = tpu.sem_alloc : memref<!tpu.dma_semaphore, #tpu.memory_space<semaphore_mem>>
        %dma_start3A_156 = tpu.memref_reshape %arg4 : memref<20x16384x128xf32, #tpu.memory_space<hbm>> -> memref<327680x128xf32, #tpu.memory_space<hbm>>
        %dma_start3A_157 = arith.constant 0 : i32
        %dma_start3A_158 = tpu.memref_slice %dma_start3A_156[%add3A_109, %dma_start3A_157] : memref<327680x128xf32, #tpu.memory_space<hbm>> -> memref<128x128xf32, #tpu.memory_space<hbm>>
        %dma_start3A_159 = tpu.memref_reshape %arg4 : memref<20x16384x128xf32, #tpu.memory_space<hbm>> -> memref<327680x128xf32, #tpu.memory_space<hbm>>
        %dma_start3A_160 = arith.constant 0 : i32
        %dma_start3A_161 = tpu.memref_slice %dma_start3A_159[%add3A_109, %dma_start3A_160] : memref<327680x128xf32, #tpu.memory_space<hbm>> -> memref<128x128xf32, #tpu.memory_space<hbm>>
        tpu.enqueue_dma source(%arg7 : memref<128x128xf32, #tpu.memory_space<vmem>>) target(%dma_start3A_161 : memref<128x128xf32, #tpu.memory_space<hbm>>) target_semaphore(%run_scoped3A : memref<!tpu.dma_semaphore, #tpu.memory_space<semaphore_mem>>)
        %dma_wait3A_162 = tpu.memref_reshape %arg4 : memref<20x16384x128xf32, #tpu.memory_space<hbm>> -> memref<327680x128xf32, #tpu.memory_space<hbm>>
        %dma_wait3A_163 = arith.constant 0 : i32
        %dma_wait3A_164 = tpu.memref_slice %dma_wait3A_162[%add3A_109, %dma_wait3A_163] : memref<327680x128xf32, #tpu.memory_space<hbm>> -> memref<128x128xf32, #tpu.memory_space<hbm>>
        %dma_wait3A_165 = tpu.memref_reshape %arg4 : memref<20x16384x128xf32, #tpu.memory_space<hbm>> -> memref<327680x128xf32, #tpu.memory_space<hbm>>
        %dma_wait3A_166 = arith.constant 0 : i32
        %dma_wait3A_167 = tpu.memref_slice %dma_wait3A_165[%add3A_109, %dma_wait3A_166] : memref<327680x128xf32, #tpu.memory_space<hbm>> -> memref<128x128xf32, #tpu.memory_space<hbm>>
        tpu.wait_dma2 semaphore(%run_scoped3A : memref<!tpu.dma_semaphore, #tpu.memory_space<semaphore_mem>>) src(%arg7 : memref<128x128xf32, #tpu.memory_space<vmem>>) dst(%dma_wait3A_167 : memref<128x128xf32, #tpu.memory_space<hbm>>)
        tpu.yield
      }) : () -> ()
      %add3A_110 = arith.constant 4 : i32
      %add3A_111 = arith.addi %add3A_100, %add3A_110 : i32
      %dma_start3A_112 = arith.constant 0 : i32
      %dma_start3A_113 = tpu.memref_slice %arg5[%add3A_111, %dma_start3A_112] : memref<80x128xi32, #tpu.memory_space<vmem>> -> memref<1x128xi32, #tpu.memory_space<vmem>>
      %dma_start3A_114 = tpu.memref_squeeze %dma_start3A_113 : memref<1x128xi32, #tpu.memory_space<vmem>> -> memref<128xi32, #tpu.memory_space<vmem>>
      %dma_start3A_115 = arith.constant 0 : i32
      %dma_start3A_116 = arith.constant 0 : i32
      %dma_start3A_117 = tpu.memref_slice %arg14[%dma_start3A_115, %dma_start3A_116] : memref<4000x128xf32, #tpu.memory_space<vmem_shared>> -> memref<4000x128xf32, #tpu.memory_space<vmem_shared>>
      tpu.enqueue_indirect_dma source(%dma_start3A_117 : memref<4000x128xf32, #tpu.memory_space<vmem_shared>>) target(%arg7 : memref<128x128xf32, #tpu.memory_space<vmem>>) offsets(%dma_start3A_114 : memref<128xi32, #tpu.memory_space<vmem>>) semaphore(%arg11 : memref<!tpu.dma_semaphore, #tpu.memory_space<semaphore_mem>>)
      %add3A_118 = arith.constant 2 : i32
      %add3A_119 = arith.addi %add3A_79, %add3A_118 : i32
      %dma_wait3A_120 = arith.constant 0 : i32
      %dma_wait3A_121 = tpu.memref_slice %arg5[%add3A_119, %dma_wait3A_120] : memref<80x128xi32, #tpu.memory_space<vmem>> -> memref<1x128xi32, #tpu.memory_space<vmem>>
      %dma_wait3A_122 = tpu.memref_squeeze %dma_wait3A_121 : memref<1x128xi32, #tpu.memory_space<vmem>> -> memref<128xi32, #tpu.memory_space<vmem>>
      %dma_wait3A_123 = arith.constant 0 : i32
      %dma_wait3A_124 = arith.constant 0 : i32
      %dma_wait3A_125 = tpu.memref_slice %arg14[%dma_wait3A_123, %dma_wait3A_124] : memref<4000x128xf32, #tpu.memory_space<vmem_shared>> -> memref<4000x128xf32, #tpu.memory_space<vmem_shared>>
      tpu.wait_indirect_dma semaphore(%arg12 : memref<!tpu.dma_semaphore, #tpu.memory_space<semaphore_mem>>) src(%dma_wait3A_125 : memref<4000x128xf32, #tpu.memory_space<vmem_shared>>) dst(%arg8 : memref<128x128xf32, #tpu.memory_space<vmem>>)
      %mul3A_126 = arith.constant 128 : i32
      %mul3A_127 = arith.muli %add3A_119, %mul3A_126 : i32
      %add3A_128 = arith.addi %mul3A_2, %mul3A_127 : i32
      "tpu.region"() ({
        %run_scoped3A = tpu.sem_alloc : memref<!tpu.dma_semaphore, #tpu.memory_space<semaphore_mem>>
        %dma_start3A_156 = tpu.memref_reshape %arg4 : memref<20x16384x128xf32, #tpu.memory_space<hbm>> -> memref<327680x128xf32, #tpu.memory_space<hbm>>
        %dma_start3A_157 = arith.constant 0 : i32
        %dma_start3A_158 = tpu.memref_slice %dma_start3A_156[%add3A_128, %dma_start3A_157] : memref<327680x128xf32, #tpu.memory_space<hbm>> -> memref<128x128xf32, #tpu.memory_space<hbm>>
        %dma_start3A_159 = tpu.memref_reshape %arg4 : memref<20x16384x128xf32, #tpu.memory_space<hbm>> -> memref<327680x128xf32, #tpu.memory_space<hbm>>
        %dma_start3A_160 = arith.constant 0 : i32
        %dma_start3A_161 = tpu.memref_slice %dma_start3A_159[%add3A_128, %dma_start3A_160] : memref<327680x128xf32, #tpu.memory_space<hbm>> -> memref<128x128xf32, #tpu.memory_space<hbm>>
        tpu.enqueue_dma source(%arg8 : memref<128x128xf32, #tpu.memory_space<vmem>>) target(%dma_start3A_161 : memref<128x128xf32, #tpu.memory_space<hbm>>) target_semaphore(%run_scoped3A : memref<!tpu.dma_semaphore, #tpu.memory_space<semaphore_mem>>)
        %dma_wait3A_162 = tpu.memref_reshape %arg4 : memref<20x16384x128xf32, #tpu.memory_space<hbm>> -> memref<327680x128xf32, #tpu.memory_space<hbm>>
        %dma_wait3A_163 = arith.constant 0 : i32
        %dma_wait3A_164 = tpu.memref_slice %dma_wait3A_162[%add3A_128, %dma_wait3A_163] : memref<327680x128xf32, #tpu.memory_space<hbm>> -> memref<128x128xf32, #tpu.memory_space<hbm>>
        %dma_wait3A_165 = tpu.memref_reshape %arg4 : memref<20x16384x128xf32, #tpu.memory_space<hbm>> -> memref<327680x128xf32, #tpu.memory_space<hbm>>
        %dma_wait3A_166 = arith.constant 0 : i32
        %dma_wait3A_167 = tpu.memref_slice %dma_wait3A_165[%add3A_128, %dma_wait3A_166] : memref<327680x128xf32, #tpu.memory_space<hbm>> -> memref<128x128xf32, #tpu.memory_space<hbm>>
        tpu.wait_dma2 semaphore(%run_scoped3A : memref<!tpu.dma_semaphore, #tpu.memory_space<semaphore_mem>>) src(%arg8 : memref<128x128xf32, #tpu.memory_space<vmem>>) dst(%dma_wait3A_167 : memref<128x128xf32, #tpu.memory_space<hbm>>)
        tpu.yield
      }) : () -> ()
      %add3A_129 = arith.constant 4 : i32
      %add3A_130 = arith.addi %add3A_119, %add3A_129 : i32
      %dma_start3A_131 = arith.constant 0 : i32
      %dma_start3A_132 = tpu.memref_slice %arg5[%add3A_130, %dma_start3A_131] : memref<80x128xi32, #tpu.memory_space<vmem>> -> memref<1x128xi32, #tpu.memory_space<vmem>>
      %dma_start3A_133 = tpu.memref_squeeze %dma_start3A_132 : memref<1x128xi32, #tpu.memory_space<vmem>> -> memref<128xi32, #tpu.memory_space<vmem>>
      %dma_start3A_134 = arith.constant 0 : i32
      %dma_start3A_135 = arith.constant 0 : i32
      %dma_start3A_136 = tpu.memref_slice %arg14[%dma_start3A_134, %dma_start3A_135] : memref<4000x128xf32, #tpu.memory_space<vmem_shared>> -> memref<4000x128xf32, #tpu.memory_space<vmem_shared>>
      tpu.enqueue_indirect_dma source(%dma_start3A_136 : memref<4000x128xf32, #tpu.memory_space<vmem_shared>>) target(%arg8 : memref<128x128xf32, #tpu.memory_space<vmem>>) offsets(%dma_start3A_133 : memref<128xi32, #tpu.memory_space<vmem>>) semaphore(%arg12 : memref<!tpu.dma_semaphore, #tpu.memory_space<semaphore_mem>>)
      %add3A_137 = arith.constant 3 : i32
      %add3A_138 = arith.addi %add3A_79, %add3A_137 : i32
      %dma_wait3A_139 = arith.constant 0 : i32
      %dma_wait3A_140 = tpu.memref_slice %arg5[%add3A_138, %dma_wait3A_139] : memref<80x128xi32, #tpu.memory_space<vmem>> -> memref<1x128xi32, #tpu.memory_space<vmem>>
      %dma_wait3A_141 = tpu.memref_squeeze %dma_wait3A_140 : memref<1x128xi32, #tpu.memory_space<vmem>> -> memref<128xi32, #tpu.memory_space<vmem>>
      %dma_wait3A_142 = arith.constant 0 : i32
      %dma_wait3A_143 = arith.constant 0 : i32
      %dma_wait3A_144 = tpu.memref_slice %arg14[%dma_wait3A_142, %dma_wait3A_143] : memref<4000x128xf32, #tpu.memory_space<vmem_shared>> -> memref<4000x128xf32, #tpu.memory_space<vmem_shared>>
      tpu.wait_indirect_dma semaphore(%arg13 : memref<!tpu.dma_semaphore, #tpu.memory_space<semaphore_mem>>) src(%dma_wait3A_144 : memref<4000x128xf32, #tpu.memory_space<vmem_shared>>) dst(%arg9 : memref<128x128xf32, #tpu.memory_space<vmem>>)
      %mul3A_145 = arith.constant 128 : i32
      %mul3A_146 = arith.muli %add3A_138, %mul3A_145 : i32
      %add3A_147 = arith.addi %mul3A_2, %mul3A_146 : i32
      "tpu.region"() ({
        %run_scoped3A = tpu.sem_alloc : memref<!tpu.dma_semaphore, #tpu.memory_space<semaphore_mem>>
        %dma_start3A_156 = tpu.memref_reshape %arg4 : memref<20x16384x128xf32, #tpu.memory_space<hbm>> -> memref<327680x128xf32, #tpu.memory_space<hbm>>
        %dma_start3A_157 = arith.constant 0 : i32
        %dma_start3A_158 = tpu.memref_slice %dma_start3A_156[%add3A_147, %dma_start3A_157] : memref<327680x128xf32, #tpu.memory_space<hbm>> -> memref<128x128xf32, #tpu.memory_space<hbm>>
        %dma_start3A_159 = tpu.memref_reshape %arg4 : memref<20x16384x128xf32, #tpu.memory_space<hbm>> -> memref<327680x128xf32, #tpu.memory_space<hbm>>
        %dma_start3A_160 = arith.constant 0 : i32
        %dma_start3A_161 = tpu.memref_slice %dma_start3A_159[%add3A_147, %dma_start3A_160] : memref<327680x128xf32, #tpu.memory_space<hbm>> -> memref<128x128xf32, #tpu.memory_space<hbm>>
        tpu.enqueue_dma source(%arg9 : memref<128x128xf32, #tpu.memory_space<vmem>>) target(%dma_start3A_161 : memref<128x128xf32, #tpu.memory_space<hbm>>) target_semaphore(%run_scoped3A : memref<!tpu.dma_semaphore, #tpu.memory_space<semaphore_mem>>)
        %dma_wait3A_162 = tpu.memref_reshape %arg4 : memref<20x16384x128xf32, #tpu.memory_space<hbm>> -> memref<327680x128xf32, #tpu.memory_space<hbm>>
        %dma_wait3A_163 = arith.constant 0 : i32
        %dma_wait3A_164 = tpu.memref_slice %dma_wait3A_162[%add3A_147, %dma_wait3A_163] : memref<327680x128xf32, #tpu.memory_space<hbm>> -> memref<128x128xf32, #tpu.memory_space<hbm>>
        %dma_wait3A_165 = tpu.memref_reshape %arg4 : memref<20x16384x128xf32, #tpu.memory_space<hbm>> -> memref<327680x128xf32, #tpu.memory_space<hbm>>
        %dma_wait3A_166 = arith.constant 0 : i32
        %dma_wait3A_167 = tpu.memref_slice %dma_wait3A_165[%add3A_147, %dma_wait3A_166] : memref<327680x128xf32, #tpu.memory_space<hbm>> -> memref<128x128xf32, #tpu.memory_space<hbm>>
        tpu.wait_dma2 semaphore(%run_scoped3A : memref<!tpu.dma_semaphore, #tpu.memory_space<semaphore_mem>>) src(%arg9 : memref<128x128xf32, #tpu.memory_space<vmem>>) dst(%dma_wait3A_167 : memref<128x128xf32, #tpu.memory_space<hbm>>)
        tpu.yield
      }) : () -> ()
      %add3A_148 = arith.constant 4 : i32
      %add3A_149 = arith.addi %add3A_138, %add3A_148 : i32
      %dma_start3A_150 = arith.constant 0 : i32
      %dma_start3A_151 = tpu.memref_slice %arg5[%add3A_149, %dma_start3A_150] : memref<80x128xi32, #tpu.memory_space<vmem>> -> memref<1x128xi32, #tpu.memory_space<vmem>>
      %dma_start3A_152 = tpu.memref_squeeze %dma_start3A_151 : memref<1x128xi32, #tpu.memory_space<vmem>> -> memref<128xi32, #tpu.memory_space<vmem>>
      %dma_start3A_153 = arith.constant 0 : i32
      %dma_start3A_154 = arith.constant 0 : i32
      %dma_start3A_155 = tpu.memref_slice %arg14[%dma_start3A_153, %dma_start3A_154] : memref<4000x128xf32, #tpu.memory_space<vmem_shared>> -> memref<4000x128xf32, #tpu.memory_space<vmem_shared>>
      tpu.enqueue_indirect_dma source(%dma_start3A_155 : memref<4000x128xf32, #tpu.memory_space<vmem_shared>>) target(%arg9 : memref<128x128xf32, #tpu.memory_space<vmem>>) offsets(%dma_start3A_152 : memref<128xi32, #tpu.memory_space<vmem>>) semaphore(%arg13 : memref<!tpu.dma_semaphore, #tpu.memory_space<semaphore_mem>>)
    }
    %scan3A_39 = arith.constant 19 : i32
    %dma_wait3A = arith.constant 76 : i32
    %dma_wait3A_40 = arith.constant 0 : i32
    %dma_wait3A_41 = tpu.memref_slice %arg5[%dma_wait3A, %dma_wait3A_40] : memref<80x128xi32, #tpu.memory_space<vmem>> -> memref<1x128xi32, #tpu.memory_space<vmem>>
    %dma_wait3A_42 = tpu.memref_squeeze %dma_wait3A_41 : memref<1x128xi32, #tpu.memory_space<vmem>> -> memref<128xi32, #tpu.memory_space<vmem>>
    %dma_wait3A_43 = arith.constant 0 : i32
    %dma_wait3A_44 = arith.constant 0 : i32
    %dma_wait3A_45 = tpu.memref_slice %arg14[%dma_wait3A_43, %dma_wait3A_44] : memref<4000x128xf32, #tpu.memory_space<vmem_shared>> -> memref<4000x128xf32, #tpu.memory_space<vmem_shared>>
    tpu.wait_indirect_dma semaphore(%arg10 : memref<!tpu.dma_semaphore, #tpu.memory_space<semaphore_mem>>) src(%dma_wait3A_45 : memref<4000x128xf32, #tpu.memory_space<vmem_shared>>) dst(%arg6 : memref<128x128xf32, #tpu.memory_space<vmem>>)
    %add3A_46 = arith.constant 9728 : i32
    %add3A_47 = arith.addi %mul3A_2, %add3A_46 : i32
    "tpu.region"() ({
      %run_scoped3A = tpu.sem_alloc : memref<!tpu.dma_semaphore, #tpu.memory_space<semaphore_mem>>
      %dma_start3A_75 = tpu.memref_reshape %arg4 : memref<20x16384x128xf32, #tpu.memory_space<hbm>> -> memref<327680x128xf32, #tpu.memory_space<hbm>>
      %dma_start3A_76 = arith.constant 0 : i32
      %dma_start3A_77 = tpu.memref_slice %dma_start3A_75[%add3A_47, %dma_start3A_76] : memref<327680x128xf32, #tpu.memory_space<hbm>> -> memref<128x128xf32, #tpu.memory_space<hbm>>
      %dma_start3A_78 = tpu.memref_reshape %arg4 : memref<20x16384x128xf32, #tpu.memory_space<hbm>> -> memref<327680x128xf32, #tpu.memory_space<hbm>>
      %dma_start3A_79 = arith.constant 0 : i32
      %dma_start3A_80 = tpu.memref_slice %dma_start3A_78[%add3A_47, %dma_start3A_79] : memref<327680x128xf32, #tpu.memory_space<hbm>> -> memref<128x128xf32, #tpu.memory_space<hbm>>
      tpu.enqueue_dma source(%arg6 : memref<128x128xf32, #tpu.memory_space<vmem>>) target(%dma_start3A_80 : memref<128x128xf32, #tpu.memory_space<hbm>>) target_semaphore(%run_scoped3A : memref<!tpu.dma_semaphore, #tpu.memory_space<semaphore_mem>>)
      %dma_wait3A_81 = tpu.memref_reshape %arg4 : memref<20x16384x128xf32, #tpu.memory_space<hbm>> -> memref<327680x128xf32, #tpu.memory_space<hbm>>
      %dma_wait3A_82 = arith.constant 0 : i32
      %dma_wait3A_83 = tpu.memref_slice %dma_wait3A_81[%add3A_47, %dma_wait3A_82] : memref<327680x128xf32, #tpu.memory_space<hbm>> -> memref<128x128xf32, #tpu.memory_space<hbm>>
      %dma_wait3A_84 = tpu.memref_reshape %arg4 : memref<20x16384x128xf32, #tpu.memory_space<hbm>> -> memref<327680x128xf32, #tpu.memory_space<hbm>>
      %dma_wait3A_85 = arith.constant 0 : i32
      %dma_wait3A_86 = tpu.memref_slice %dma_wait3A_84[%add3A_47, %dma_wait3A_85] : memref<327680x128xf32, #tpu.memory_space<hbm>> -> memref<128x128xf32, #tpu.memory_space<hbm>>
      tpu.wait_dma2 semaphore(%run_scoped3A : memref<!tpu.dma_semaphore, #tpu.memory_space<semaphore_mem>>) src(%arg6 : memref<128x128xf32, #tpu.memory_space<vmem>>) dst(%dma_wait3A_86 : memref<128x128xf32, #tpu.memory_space<hbm>>)
      tpu.yield
    }) : () -> ()
    %dma_wait3A_48 = arith.constant 77 : i32
    %dma_wait3A_49 = arith.constant 0 : i32
    %dma_wait3A_50 = tpu.memref_slice %arg5[%dma_wait3A_48, %dma_wait3A_49] : memref<80x128xi32, #tpu.memory_space<vmem>> -> memref<1x128xi32, #tpu.memory_space<vmem>>
    %dma_wait3A_51 = tpu.memref_squeeze %dma_wait3A_50 : memref<1x128xi32, #tpu.memory_space<vmem>> -> memref<128xi32, #tpu.memory_space<vmem>>
    %dma_wait3A_52 = arith.constant 0 : i32
    %dma_wait3A_53 = arith.constant 0 : i32
    %dma_wait3A_54 = tpu.memref_slice %arg14[%dma_wait3A_52, %dma_wait3A_53] : memref<4000x128xf32, #tpu.memory_space<vmem_shared>> -> memref<4000x128xf32, #tpu.memory_space<vmem_shared>>
    tpu.wait_indirect_dma semaphore(%arg11 : memref<!tpu.dma_semaphore, #tpu.memory_space<semaphore_mem>>) src(%dma_wait3A_54 : memref<4000x128xf32, #tpu.memory_space<vmem_shared>>) dst(%arg7 : memref<128x128xf32, #tpu.memory_space<vmem>>)
    %add3A_55 = arith.constant 9856 : i32
    %add3A_56 = arith.addi %mul3A_2, %add3A_55 : i32
    "tpu.region"() ({
      %run_scoped3A = tpu.sem_alloc : memref<!tpu.dma_semaphore, #tpu.memory_space<semaphore_mem>>
      %dma_start3A_75 = tpu.memref_reshape %arg4 : memref<20x16384x128xf32, #tpu.memory_space<hbm>> -> memref<327680x128xf32, #tpu.memory_space<hbm>>
      %dma_start3A_76 = arith.constant 0 : i32
      %dma_start3A_77 = tpu.memref_slice %dma_start3A_75[%add3A_56, %dma_start3A_76] : memref<327680x128xf32, #tpu.memory_space<hbm>> -> memref<128x128xf32, #tpu.memory_space<hbm>>
      %dma_start3A_78 = tpu.memref_reshape %arg4 : memref<20x16384x128xf32, #tpu.memory_space<hbm>> -> memref<327680x128xf32, #tpu.memory_space<hbm>>
      %dma_start3A_79 = arith.constant 0 : i32
      %dma_start3A_80 = tpu.memref_slice %dma_start3A_78[%add3A_56, %dma_start3A_79] : memref<327680x128xf32, #tpu.memory_space<hbm>> -> memref<128x128xf32, #tpu.memory_space<hbm>>
      tpu.enqueue_dma source(%arg7 : memref<128x128xf32, #tpu.memory_space<vmem>>) target(%dma_start3A_80 : memref<128x128xf32, #tpu.memory_space<hbm>>) target_semaphore(%run_scoped3A : memref<!tpu.dma_semaphore, #tpu.memory_space<semaphore_mem>>)
      %dma_wait3A_81 = tpu.memref_reshape %arg4 : memref<20x16384x128xf32, #tpu.memory_space<hbm>> -> memref<327680x128xf32, #tpu.memory_space<hbm>>
      %dma_wait3A_82 = arith.constant 0 : i32
      %dma_wait3A_83 = tpu.memref_slice %dma_wait3A_81[%add3A_56, %dma_wait3A_82] : memref<327680x128xf32, #tpu.memory_space<hbm>> -> memref<128x128xf32, #tpu.memory_space<hbm>>
      %dma_wait3A_84 = tpu.memref_reshape %arg4 : memref<20x16384x128xf32, #tpu.memory_space<hbm>> -> memref<327680x128xf32, #tpu.memory_space<hbm>>
      %dma_wait3A_85 = arith.constant 0 : i32
      %dma_wait3A_86 = tpu.memref_slice %dma_wait3A_84[%add3A_56, %dma_wait3A_85] : memref<327680x128xf32, #tpu.memory_space<hbm>> -> memref<128x128xf32, #tpu.memory_space<hbm>>
      tpu.wait_dma2 semaphore(%run_scoped3A : memref<!tpu.dma_semaphore, #tpu.memory_space<semaphore_mem>>) src(%arg7 : memref<128x128xf32, #tpu.memory_space<vmem>>) dst(%dma_wait3A_86 : memref<128x128xf32, #tpu.memory_space<hbm>>)
      tpu.yield
    }) : () -> ()
    %dma_wait3A_57 = arith.constant 78 : i32
    %dma_wait3A_58 = arith.constant 0 : i32
    %dma_wait3A_59 = tpu.memref_slice %arg5[%dma_wait3A_57, %dma_wait3A_58] : memref<80x128xi32, #tpu.memory_space<vmem>> -> memref<1x128xi32, #tpu.memory_space<vmem>>
    %dma_wait3A_60 = tpu.memref_squeeze %dma_wait3A_59 : memref<1x128xi32, #tpu.memory_space<vmem>> -> memref<128xi32, #tpu.memory_space<vmem>>
    %dma_wait3A_61 = arith.constant 0 : i32
    %dma_wait3A_62 = arith.constant 0 : i32
    %dma_wait3A_63 = tpu.memref_slice %arg14[%dma_wait3A_61, %dma_wait3A_62] : memref<4000x128xf32, #tpu.memory_space<vmem_shared>> -> memref<4000x128xf32, #tpu.memory_space<vmem_shared>>
    tpu.wait_indirect_dma semaphore(%arg12 : memref<!tpu.dma_semaphore, #tpu.memory_space<semaphore_mem>>) src(%dma_wait3A_63 : memref<4000x128xf32, #tpu.memory_space<vmem_shared>>) dst(%arg8 : memref<128x128xf32, #tpu.memory_space<vmem>>)
    %add3A_64 = arith.constant 9984 : i32
    %add3A_65 = arith.addi %mul3A_2, %add3A_64 : i32
    "tpu.region"() ({
      %run_scoped3A = tpu.sem_alloc : memref<!tpu.dma_semaphore, #tpu.memory_space<semaphore_mem>>
      %dma_start3A_75 = tpu.memref_reshape %arg4 : memref<20x16384x128xf32, #tpu.memory_space<hbm>> -> memref<327680x128xf32, #tpu.memory_space<hbm>>
      %dma_start3A_76 = arith.constant 0 : i32
      %dma_start3A_77 = tpu.memref_slice %dma_start3A_75[%add3A_65, %dma_start3A_76] : memref<327680x128xf32, #tpu.memory_space<hbm>> -> memref<128x128xf32, #tpu.memory_space<hbm>>
      %dma_start3A_78 = tpu.memref_reshape %arg4 : memref<20x16384x128xf32, #tpu.memory_space<hbm>> -> memref<327680x128xf32, #tpu.memory_space<hbm>>
      %dma_start3A_79 = arith.constant 0 : i32
      %dma_start3A_80 = tpu.memref_slice %dma_start3A_78[%add3A_65, %dma_start3A_79] : memref<327680x128xf32, #tpu.memory_space<hbm>> -> memref<128x128xf32, #tpu.memory_space<hbm>>
      tpu.enqueue_dma source(%arg8 : memref<128x128xf32, #tpu.memory_space<vmem>>) target(%dma_start3A_80 : memref<128x128xf32, #tpu.memory_space<hbm>>) target_semaphore(%run_scoped3A : memref<!tpu.dma_semaphore, #tpu.memory_space<semaphore_mem>>)
      %dma_wait3A_81 = tpu.memref_reshape %arg4 : memref<20x16384x128xf32, #tpu.memory_space<hbm>> -> memref<327680x128xf32, #tpu.memory_space<hbm>>
      %dma_wait3A_82 = arith.constant 0 : i32
      %dma_wait3A_83 = tpu.memref_slice %dma_wait3A_81[%add3A_65, %dma_wait3A_82] : memref<327680x128xf32, #tpu.memory_space<hbm>> -> memref<128x128xf32, #tpu.memory_space<hbm>>
      %dma_wait3A_84 = tpu.memref_reshape %arg4 : memref<20x16384x128xf32, #tpu.memory_space<hbm>> -> memref<327680x128xf32, #tpu.memory_space<hbm>>
      %dma_wait3A_85 = arith.constant 0 : i32
      %dma_wait3A_86 = tpu.memref_slice %dma_wait3A_84[%add3A_65, %dma_wait3A_85] : memref<327680x128xf32, #tpu.memory_space<hbm>> -> memref<128x128xf32, #tpu.memory_space<hbm>>
      tpu.wait_dma2 semaphore(%run_scoped3A : memref<!tpu.dma_semaphore, #tpu.memory_space<semaphore_mem>>) src(%arg8 : memref<128x128xf32, #tpu.memory_space<vmem>>) dst(%dma_wait3A_86 : memref<128x128xf32, #tpu.memory_space<hbm>>)
      tpu.yield
    }) : () -> ()
    %dma_wait3A_66 = arith.constant 79 : i32
    %dma_wait3A_67 = arith.constant 0 : i32
    %dma_wait3A_68 = tpu.memref_slice %arg5[%dma_wait3A_66, %dma_wait3A_67] : memref<80x128xi32, #tpu.memory_space<vmem>> -> memref<1x128xi32, #tpu.memory_space<vmem>>
    %dma_wait3A_69 = tpu.memref_squeeze %dma_wait3A_68 : memref<1x128xi32, #tpu.memory_space<vmem>> -> memref<128xi32, #tpu.memory_space<vmem>>
    %dma_wait3A_70 = arith.constant 0 : i32
    %dma_wait3A_71 = arith.constant 0 : i32
    %dma_wait3A_72 = tpu.memref_slice %arg14[%dma_wait3A_70, %dma_wait3A_71] : memref<4000x128xf32, #tpu.memory_space<vmem_shared>> -> memref<4000x128xf32, #tpu.memory_space<vmem_shared>>
    tpu.wait_indirect_dma semaphore(%arg13 : memref<!tpu.dma_semaphore, #tpu.memory_space<semaphore_mem>>) src(%dma_wait3A_72 : memref<4000x128xf32, #tpu.memory_space<vmem_shared>>) dst(%arg9 : memref<128x128xf32, #tpu.memory_space<vmem>>)
    %add3A_73 = arith.constant 10112 : i32
    %add3A_74 = arith.addi %mul3A_2, %add3A_73 : i32
    "tpu.region"() ({
      %run_scoped3A = tpu.sem_alloc : memref<!tpu.dma_semaphore, #tpu.memory_space<semaphore_mem>>
      %dma_start3A_75 = tpu.memref_reshape %arg4 : memref<20x16384x128xf32, #tpu.memory_space<hbm>> -> memref<327680x128xf32, #tpu.memory_space<hbm>>
      %dma_start3A_76 = arith.constant 0 : i32
      %dma_start3A_77 = tpu.memref_slice %dma_start3A_75[%add3A_74, %dma_start3A_76] : memref<327680x128xf32, #tpu.memory_space<hbm>> -> memref<128x128xf32, #tpu.memory_space<hbm>>
      %dma_start3A_78 = tpu.memref_reshape %arg4 : memref<20x16384x128xf32, #tpu.memory_space<hbm>> -> memref<327680x128xf32, #tpu.memory_space<hbm>>
      %dma_start3A_79 = arith.constant 0 : i32
      %dma_start3A_80 = tpu.memref_slice %dma_start3A_78[%add3A_74, %dma_start3A_79] : memref<327680x128xf32, #tpu.memory_space<hbm>> -> memref<128x128xf32, #tpu.memory_space<hbm>>
      tpu.enqueue_dma source(%arg9 : memref<128x128xf32, #tpu.memory_space<vmem>>) target(%dma_start3A_80 : memref<128x128xf32, #tpu.memory_space<hbm>>) target_semaphore(%run_scoped3A : memref<!tpu.dma_semaphore, #tpu.memory_space<semaphore_mem>>)
      %dma_wait3A_81 = tpu.memref_reshape %arg4 : memref<20x16384x128xf32, #tpu.memory_space<hbm>> -> memref<327680x128xf32, #tpu.memory_space<hbm>>
      %dma_wait3A_82 = arith.constant 0 : i32
      %dma_wait3A_83 = tpu.memref_slice %dma_wait3A_81[%add3A_74, %dma_wait3A_82] : memref<327680x128xf32, #tpu.memory_space<hbm>> -> memref<128x128xf32, #tpu.memory_space<hbm>>
      %dma_wait3A_84 = tpu.memref_reshape %arg4 : memref<20x16384x128xf32, #tpu.memory_space<hbm>> -> memref<327680x128xf32, #tpu.memory_space<hbm>>
      %dma_wait3A_85 = arith.constant 0 : i32
      %dma_wait3A_86 = tpu.memref_slice %dma_wait3A_84[%add3A_74, %dma_wait3A_85] : memref<327680x128xf32, #tpu.memory_space<hbm>> -> memref<128x128xf32, #tpu.memory_space<hbm>>
      tpu.wait_dma2 semaphore(%run_scoped3A : memref<!tpu.dma_semaphore, #tpu.memory_space<semaphore_mem>>) src(%arg9 : memref<128x128xf32, #tpu.memory_space<vmem>>) dst(%dma_wait3A_86 : memref<128x128xf32, #tpu.memory_space<hbm>>)
      tpu.yield
    }) : () -> ()
    return
  }
}

</mosaic_0001>

<sc_bundles>
// kernel: kernel.3.cloned.1.call-start
scs
__scs_entry_jumppad:
0x0: {  	(pc) =	sbr.rel $0x88, $3  }
0x1: {  	(tag) =	ssettag $0x0;
	lr =	simm.s32 $0x1  }
0x2: {  	[smem:$0x3F9F] =	sst lr;
	_ =	strace $0xD0000000  }
0x3: {  	_ = 	snop  }
0x4: {  	_ = 	snop  }
0x5: {  	_ = 	snop  }
0x6: {  	_ = 	snop  }
0x7: {  	_ = 	snop  }
__scs_overlays_trampoline_lowered:
0x8: {  	[smem:$0x3FAE] =	sst s0  }
0x9: {  	[smem:$0x3FAF] =	sst s1  }
0xa: {  	[smem:$0x3FB0] =	sst s2  }
0xb: {  	[smem:$0x3FB1] =	sst s3  }
0xc: {  	[smem:$0x3FB2] =	sst s4  }
0xd: {  	[smem:$0x3FB3] =	sst s5  }
0xe: {  	[smem:$0x3FB4] =	sst s6  }
0xf: {  	[smem:$0x3FB5] =	sst s7  }
0x10: {  	[smem:$0x3FB6] =	sst s8  }
0x11: {  	[smem:$0x3FB7] =	sst s9;
	s0 =	simm.s32 @!p0 $0x0  }
0x12: {  	s1 =	sld [smem:$0x3F9D];
	s0 =	simm.s32 @p0 $0x1  }
0x13: {  	[smem:$0x3FB8] =	sst s0;
	s0 =	simm.s32 @!p1 $0x0  }
0x14: {  	s2 =	sld [smem:$0x3F9C];
	s0 =	simm.s32 @p1 $0x1  }
0x15: {  	[smem:$0x3FB9] =	sst s0;
	s0 =	simm.s32 @!p2 $0x0  }
0x16: {  	s3 =	sld [smem:$0x3FDB];
	s0 =	simm.s32 @p2 $0x1  }
0x17: {  	s4 =	simm.s32 $0x1BF5;
	[smem:$0x3FBB] =	sst s0  }
0x18: {  	s0 =	sld [smem:$0x3F9E];
	_ =	swait.ge [sflag:s4], $0x0  }
0x19: {  	s7 =	sld [smem:$0x3F9F]  }
0x1a: {  	s8 =	sadd.s32 $0xFFFFE003, lr  }
0x1b: {  	s9 =	sadd.s32 $0xFFFFFEF7, lr;
	s5 =	simm.s32 $0xFFFFFFFF;
	p2 =	slt.u32 s8, $0xFFFFF086  }
0x1c: {  	p1 =	slt.u32 s9, $0xF7A;
	s5 =	simm.s32 @!p2 $0x0  }
0x1d: {  	s5 =	simm.s32 @p1 $0x1;
	p0 =	seq.s32 s7, s2  }
0x1e: {  	s7 =	smul.u32 @!p0 $0xF7A, s2;
	p2 =	seq.s32 @!p0 s5, $0x0  }
0x1f: {  	s9 =	smul.u32 $0xF7A, s1;
	s8 =	simm.s32 @!p0 $0x1BF5;
	p2 =	por !p2, p0  }
0x20: {  	[sflag:s8] =	ssyncset.s32 @!p0 $0xFFFFF086;
	s6 =	sadd.s32 @!p0 s3, s7;
	s7 =	simm.s32 @!p0 $0x108  }
0x21: {  	s3 =	sadd.s32 s3, s9;
	s6 =	sadd.s32 @!p0 $0x88, s6;
	s7 =	simm.s32 @p2 $0x1082  }
0x22: {  	[simem:s7], [sflag:s8] =	dma.local @!p0 [hbm:s6], $0xF7A  }
0x23: {  	s9 =	sor.u32 $0xD0000000, s2;
	s6 =	simm.s32 $0x108;
	_ =	swait.ge @!p0 [sflag:s8], $0x0  }
0x24: {  	s3 =	sadd.s32 $0x88, s3;
	s6 =	simm.s32 @!p1 $0x1082;
	[sflag:s4] =	ssyncset.s32 $0xFFFFF086  }
0x25: {  	[simem:s6], [sflag:s4] =	dma.local [hbm:s3], $0xF7A  }
0x26: {  	[smem:$0x3F9F] =	sst s1;
	(tag) =	ssettag s2;
	_ =	strace s9  }
0x27: {  	s1 =	sld [smem:$0x3FAF]  }
0x28: {  	s2 =	sld [smem:$0x3FB0]  }
0x29: {  	s4 =	sld [smem:$0x3FB2]  }
0x2a: {  	p0 =	seq.s32 s5, $0x0;
	s5 =	sld [smem:$0x3FB3]  }
0x2b: {  	s6 =	sld [smem:$0x3FB4]  }
0x2c: {  	s7 =	sld [smem:$0x3FB5]  }
0x2d: {  	s3 =	simm.s32 $0x108;
	s8 =	sld [smem:$0x3FB6]  }
0x2e: {  	s3 =	simm.s32 @!p0 $0x1082;
	s9 =	sld [smem:$0x3FB7]  }
0x2f: {  	lr =	sadd.s32 s0, s3;
	s0 =	sld [smem:$0x3FAE]  }
0x30: {  	s3 =	sld [smem:$0x3FB1]  }
0x31: {  	[smem:$0x3FBA] =	sst s10  }
0x32: {  	s10 =	sld [smem:$0x3FB8];
	_ =	sdelay $0x3  }
0x33: {  	p0 =	seq.s32 s10, $0x1;
	s10 =	sld [smem:$0x3FBA];
	_ =	sdelay $0x3  }
0x34: {  	[smem:$0x3FBA] =	sst s10  }
0x35: {  	s10 =	sld [smem:$0x3FB9];
	_ =	sdelay $0x3  }
0x36: {  	p1 =	seq.s32 s10, $0x1;
	s10 =	sld [smem:$0x3FBA];
	_ =	sdelay $0x3  }
0x37: {  	[smem:$0x3FBA] =	sst s10  }
0x38: {  	s10 =	sld [smem:$0x3FBB]  }
0x39: {  	_ = 	snop;
	(pc) =	sbr.ind lr, $3  }
0x3a: {  	_ = 	snop  }
0x3b: {  	_ = 	snop  }
0x3c: {  	p2 =	seq.s32 s10, $0x1;
	s10 =	sld [smem:$0x3FBA]  }
0x3d: {  	_ =	shalt  }
0x3e: {  	_ =	shalt  }
0x3f: {  	_ =	shalt  }
0x40: {  	_ =	shalt  }
0x41: {  	_ =	shalt  }
0x42: {  	_ =	shalt  }
0x43: {  	_ =	shalt  }
0x44: {  	_ =	shalt  }
0x45: {  	_ =	shalt  }
0x46: {  	_ =	shalt  }
0x47: {  	_ =	shalt  }
0x48: {  	_ =	shalt  }
0x49: {  	_ =	shalt  }
0x4a: {  	_ =	shalt  }
0x4b: {  	_ =	shalt  }
0x4c: {  	_ =	shalt  }
0x4d: {  	_ =	shalt  }
0x4e: {  	_ =	shalt  }
0x4f: {  	_ =	shalt  }
0x50: {  	_ =	shalt  }
0x51: {  	_ =	shalt  }
0x52: {  	_ =	shalt  }
0x53: {  	_ =	shalt  }
0x54: {  	_ =	shalt  }
0x55: {  	_ =	shalt  }
0x56: {  	_ =	shalt  }
0x57: {  	_ =	shalt  }
0x58: {  	_ =	shalt  }
0x59: {  	_ =	shalt  }
0x5a: {  	_ =	shalt  }
0x5b: {  	_ =	shalt  }
0x5c: {  	_ =	shalt  }
0x5d: {  	_ =	shalt  }
0x5e: {  	_ =	shalt  }
0x5f: {  	_ =	shalt  }
0x60: {  	_ =	shalt  }
0x61: {  	_ =	shalt  }
0x62: {  	_ =	shalt  }
0x63: {  	_ =	shalt  }
0x64: {  	_ =	shalt  }
0x65: {  	_ =	shalt  }
0x66: {  	_ =	shalt  }
0x67: {  	_ =	shalt  }
0x68: {  	_ =	shalt  }
0x69: {  	_ =	shalt  }
0x6a: {  	_ =	shalt  }
0x6b: {  	_ =	shalt  }
0x6c: {  	_ =	shalt  }
0x6d: {  	_ =	shalt  }
0x6e: {  	_ =	shalt  }
0x6f: {  	_ =	shalt  }
0x70: {  	_ =	shalt  }
0x71: {  	_ =	shalt  }
0x72: {  	_ =	shalt  }
0x73: {  	_ =	shalt  }
0x74: {  	_ =	shalt  }
0x75: {  	_ =	shalt  }
0x76: {  	_ =	shalt  }
0x77: {  	_ =	shalt  }
0x78: {  	_ =	shalt  }
0x79: {  	_ =	shalt  }
0x7a: {  	_ =	shalt  }
0x7b: {  	_ =	shalt  }
0x7c: {  	_ =	shalt  }
0x7d: {  	_ =	shalt  }
0x7e: {  	_ =	shalt  }
0x7f: {  	_ =	shalt  }
0x80: {  	_ =	shalt  }
0x81: {  	_ =	shalt  }
0x82: {  	_ =	shalt  }
0x83: {  	_ =	shalt  }
0x84: {  	_ =	shalt  }
0x85: {  	_ =	shalt  }
0x86: {  	_ =	shalt  }
0x87: {  	_ =	shalt  }
.Lfunc_end0:
.L_simem_size_0:
called_computation_lowered:
.L_overlay_start_0:
0x88: {  	s2 =	sld [smem:$0x3FD9]  }
0x89: {  	s3 =	sld [smem:$0x3FFE];
	_ =	sdelay $0x1  }
0x8a: {  	s1 =	srdreg.scid  }
0x8b: {  	s0 =	sand.u32 $0x1, s1  }
0x8c: {  	s17 =	sshll.u32 s0, $0xA;
	s2 =	sadd.s32 s3, s2  }
0x8d: {  	s2 =	sadd.s32 s2, s17  }
0x8e: {  	[smem:$0x3FC6] =	sst s2  }
0x8f: {  	_ = 	snop  }
0x90: {  	s2 =	sld [smem:$0x3FC8]  }
0x91: {  	s18 =	sld [smem:$0x3FD0];
	(tm) =	ssettm $0x1  }
0x92: {  	s4 =	sld [smem:$0x3FFB];
	_ =	sdelay $0x3  }
0x93: {  	_ =	strace s4  }
0x94: {  	s4 =	sld [smem:$0x3FFC];
	_ =	sdelay $0x3  }
0x95: {  	_ =	strace s4  }
0x96: {  	s4 =	sld [smem:$0x3FFD];
	_ =	sdelay $0x3  }
0x97: {  	_ =	strace s4  }
0x98: {  	_ =	strace $0x8FFFFFFF  }
0x99: {  	s19 =	sld [smem:$0x3FDB];
	_ =	sdelay $0x1  }
0x9a: {  	s5 =	simm.s32 $_scs_section_size  }
0x9b: {  	s6 =	simm.s32 $_size__tile_overlayer_lowered;
	s7 =	simm.s32 $_tile_overlayer_lowered  }
0x9c: {  	s22 =	simm.s32 $0x1BFF;
	s21 =	sshll.u32 s7, $0x1;
	s4 =	sadd.s32 s5, s19  }
0x9d: {  	s8 =	simm.s32 $0x0;
	s20 =	sshll.u32 s6, $0x1;
	s6 =	sadd.s32 s21, s4  }
0x9e: {  	[timem:s8], [sflag:s22] =	dma.local [hbm:s6], s20  }
0x9f: {  	_ =	swait.ge [sflag:s22], s20  }
0xa0: {  	s5 =	ssub.s32 $0x0, s20;
	[sflag:s22] =	ssyncset.done $0x0  }
0xa1: {  	[sflag:s22] =	ssyncadd.s32 s5;
	_ =	sdelay $0x1  }
0xa2: {  	s23 =	simm.s32 $0x1B8B  }
0xa3: {  	_ =	swait.ge [sflag:s23], $0x1  }
0xa4: {  	[sflag:s23] =	ssyncset.done $0x0  }
0xa5: {  	s25 =	simm.s32 $0x1B8E;
	s24 =	sld [smem:$0x3FFE];
	[sflag:s23] =	ssyncadd.s32 $0xFFFFFFFF  }
0xa6: {  	s26 =	simm.s32 $execute0_lowered;
	[smem:$0x3FD2] =	sst s25  }
0xa7: {  	s6 =	sshll.u32 s26, $0x1;
	_ =	strace $0x80000046;
	[dreg:$0x1] =	wrdreg $0xFFFFFFFF  }
0xa8: {  	s28 =	simm.s32 $_size_execute0_lowered;
	s4 =	sadd.s32 s4, s6;
	[dreg:$0x0] =	wrdreg $0x0  }
0xa9: {  	s6 =	sshll.u32 s28, $0x1;
	[dreg:$0x2] =	wrdreg s4  }
0xaa: {  	[dreg:$0x3] =	wrdreg s6  }
0xab: {  	[dreg:$0x4] =	wrdreg $0xC0  }
0xac: {  	_ =	task [dreg:s8], $0x5FFFF  }
0xad: {  	[dreg:$0x1] =	wrdreg $0xFFFFFFFF  }
0xae: {  	[dreg:$0x0] =	wrdreg $0x60  }
0xaf: {  	[dreg:$0x2] =	wrdreg s24  }
0xb0: {  	[dreg:$0x3] =	wrdreg s2  }
0xb1: {  	[dreg:$0x4] =	wrdreg s18  }
0xb2: {  	[dreg:$0x5] =	wrdreg $0x128000  }
0xb3: {  	[dreg:$0x6] =	wrdreg $0x9  }
0xb4: {  	_ =	task.clear_ibuf [dreg:s8], $0x7FFFF;
	_ =	strace $0x90000046  }
0xb5: {  	s29 =	simm.s32 $0x9;
	_ =	strace $0x80000048  }
0xb6: {  	_ =	swait.ge [sflag:s29], $0x1  }
0xb7: {  	[sflag:s29] =	ssyncadd.s32 $0xFFFFFFFF  }
0xb8: {  	_ =	strace $0x90000048  }
0xb9: {  	_ =	sfence  }
0xba: {  	s30 =	sld [smem:$0x0];
	_ =	sdelay $0x2  }
0xbb: {  	s31 =	sshll.u32 s1, $0xD;
	s1 =	sshrl.u32 s1, $0x2  }
0xbc: {  	s3 =	sand.u32 $0x4000, s31;
	s1 =	sadd.s32 s1, s30  }
0xbd: {  	s0 =	sor.u32 s3, s0;
	s1 =	sshll.u32 s1, $0x11  }
0xbe: {  	s0 =	sor.u32 s1, s0  }
0xbf: {  	s0 =	sadd.s32 $0x8F2B, s0  }
0xc0: {  	[sflag:s0] =	ssyncadd.remote.s32 $0x1  }
0xc1: {  	_ =	sfence.sel $0xFFFF  }
0xc2: {  	[dreg:$0x0] =	wrdreg $0xFFFFFFFF;
	(pc) =	sbr.abs _section_cstart, $3  }
0xc3: {  	[dreg:$0x1] =	wrdreg $0xFFFFFFFF  }
0xc4: {  	_ =	task.clear_ibuf [dreg:s8], $0x2FFFF;
	_ =	strace $0x9FFFFFFF  }
0xc5: {  	(tm) =	ssettm $0x7FFFFFFF  }
tec
execute0_lowered:
.L_overlay_start_1:
0x0: {  	(tag) =	ssettag $0x1  }
0x1: {  	s0 =	rddreg [dreg:$0x0];
	s1 =	srdreg.scid  }
0x2: {  	s16 =	stileid.u32;
	s6 =	rddreg [dreg:$0x1]  }
0x3: {  	s13 =	rddreg [dreg:$0x2];
	s3 =	simm.s32 $0x0;
	s18 =	simm.s32 $0x80  }
0x4: {  	s19 =	simm.s32 $0x2800;
	s20 =	simm.s32 $0x6800;
	s22 =	simm.s32 $0xA800  }
0x5: {  	s28 =	simm.s32 $0x3;
	s29 =	simm.s32 $0x4;
	s30 =	simm.s32 $0x0  }
0x6: {  	s1 =	sand.u32 $0x1, s1;
	s2 =	sshll.u32 s16, $0x1;
	s12 =	smul.u32 $0x280000, s16  }
0x7: {  	[smem:$0x7FF] =	sst s3;
	s23 =	sshll.u32 s16, $0xF;
	s31 =	smul.u32 $0x50000, s16  }
0x8: {  	s24 =	sshll.u32 s16, $0xC;
	p0 =	seq.s32 s16, $0xF;
	s14 =	smul.u32 $0x140000, s1  }
0x9: {  	s4 =	sor.u32 s1, s2;
	s7 =	ssub.s32 $0x2, s1;
	s1 =	smul.u32 $0x28000, s1  }
0xa: {  	s2 =	rddreg [dreg:$0x3];
	_ =	strace $0x80000047;
	s5 =	smul.u32 $0x2800, s4  }
0xb: {  	s8 =	sshrl.u32 s7, $0x1;
	s25 =	smul.u32 $0x140000, s4;
	s15 =	sadd.s32 $0x78000, s2  }
0xc: {  	s11 =	ssub.s32 s7, s8;
	s12 =	sadd.s32 s14, s12;
	s14 =	simm.s32 $0x5  }
0xd: {  	s15 =	sshrl.u32 @p0 s15, $0x3;
	s5 =	sshrl.u32 s5, $0x3;
	s26 =	sshrl.u32 s25, $0x3  }
0xe: {  	s11 =	smax.u32 s11, $0x1;
	s12 =	sshrl.u32 s12, $0x3;
	s25 =	simm.s32 $0x1  }
0xf: {  	s0 =	sadd.s32 s5, s0;
	s5 =	sadd.s32 s6, s24;
	s6 =	sadd.s32 $0xF000, s6  }
0x10: {  	s10 =	sadd.s32 s13, s26;
	s12 =	sadd.s32 s12, s13;
	s13 =	sadd.s32 s31, s13  }
0x11: {  	s24 =	simm.s32 $0xE800;
	s26 =	simm.s32 $0x2;
	s4 =	sadd.s32 $0x400, s0  }
0x12: {  	s0 =	sadd.s32 s23, s2;
	s7 =	sadd.s32 $0x26000, s10;
	s8 =	sadd.s32 $0x26800, s10  }
0x13: {  	s9 =	sadd.s32 $0x27000, s10;
	s13 =	sadd.s32 s1, s13;
	s1 =	sshll.u32 @!p0 s16, $0x6  }
0x14: {  	s10 =	sadd.s32 $0x27800, s10;
	s16 =	sor.u32 @!p0 $0x1C05, s1;
	s17 =	sshrl.u32 @!p0 s0, $0x3  }
.LBB2_1:
0x15: {  	[tilespmem:s3], [sflag:$0x5] =	stream.linear.gather [hbm4b:s4+s3], $0x2800, $0x38;
	[tilespmem:$0x1A500] =	vst v63  }
0x16: {  	_ =	swait.ge [sflag:s14], $0x2800  }
0x17: {  	[sflag:s14] =	ssyncset.done $0x0  }
0x18: {  	s0 =	simm.s32 @p0 $0x1FC5;
	[sflag:s14] =	ssyncadd.s32 $0xFFFFD800  }
0x19: {  	[spmem:s15], [sflag:s0] =	dma.local @p0 [hbm:s6], $0xA00  }
0x1a: {  	s0 =	simm.s32 @p0 $0x5  }
0x1b: {  	_ =	swait.ge @p0 [sflag:s0], $0xA00  }
0x1c: {  	[sflag:s0] =	ssyncset.done @p0 $0x0  }
0x1d: {  	[sflag:s0] =	ssyncadd.s32 @p0 $0xFFFFF600;
	s0 =	simm.s32 @!p0 $0x5  }
0x1e: {  	[spmem:s17], [sflag:s16] =	dma.local @!p0 [hbm:s5], $0x1000  }
0x1f: {  	_ =	swait.ge @!p0 [sflag:s0], $0x1000  }
0x20: {  	[sflag:s0] =	ssyncset.done @!p0 $0x0  }
0x21: {  	[sflag:s0] =	ssyncadd.s32 @!p0 $0xFFFFF000  }
0x22: {  	[bflag:$0x0] =	sbarrier.arrive $0xFFFF  }
0x23: {  	[tilespmem:s19], [sflag:$0x1] =	stream.indirect.gather [spmem:s2], $0x80, s3, s18, $0xb8;
	[tilespmem:$0x1A500] =	vst v63  }
0x24: {  	_ = 	snop  }
0x25: {  	[tilespmem:s20], [sflag:$0x2] =	stream.indirect.gather [spmem:s2], $0x80, s18, s18, $0xb8;
	[tilespmem:$0x1A500] =	vst v63  }
0x26: {  	s21 =	simm.s32 $0x100  }
0x27: {  	[tilespmem:s22], [sflag:$0x3] =	stream.indirect.gather [spmem:s2], $0x80, s21, s18, $0xb8;
	[tilespmem:$0x1A500] =	vst v63  }
0x28: {  	s23 =	simm.s32 $0x180  }
0x29: {  	[tilespmem:s24], [sflag:$0x4] =	stream.indirect.gather [spmem:s2], $0x80, s23, s18, $0xb8;
	[tilespmem:$0x1A500] =	vst v63  }
0x2a: {  	_ =	swait.ge [sflag:s25], $0x4000  }
0x2b: {  	[sflag:s25] =	ssyncset.done $0x0  }
0x2c: {  	s1 =	sadd.s32 $0x0, s12;
	[sflag:s25] =	ssyncadd.s32 $0xFFFFC000  }
0x2d: {  	[hbm4b:s1+s3] =	stream.linear.scatter [tilespmem:s19], [sflag:$0x5], $0x4000, $0x38;
	[tilespmem:$0x1A500] =	vst v63  }
0x2e: {  	_ =	swait.ge [sflag:s14], $0x4000  }
0x2f: {  	[sflag:s14] =	ssyncset.done $0x0  }
0x30: {  	s21 =	simm.s32 $0x200;
	[sflag:s14] =	ssyncadd.s32 $0xFFFFC000  }
0x31: {  	[tilespmem:s19], [sflag:$0x1] =	stream.indirect.gather [spmem:s2], $0x80, s21, s18, $0xb8;
	[tilespmem:$0x1A500] =	vst v63  }
0x32: {  	_ =	swait.ge [sflag:s26], $0x4000  }
0x33: {  	s0 =	sadd.s32 $0x0, s13;
	[sflag:s26] =	ssyncset.done $0x0  }
0x34: {  	s1 =	sadd.s32 $0x800, s0;
	[sflag:s26] =	ssyncadd.s32 $0xFFFFC000  }
0x35: {  	[hbm4b:s1+s3] =	stream.linear.scatter [tilespmem:s20], [sflag:$0x5], $0x4000, $0x38;
	[tilespmem:$0x1A500] =	vst v63  }
0x36: {  	_ =	swait.ge [sflag:s14], $0x4000  }
0x37: {  	[sflag:s14] =	ssyncset.done $0x0  }
0x38: {  	s23 =	simm.s32 $0x280;
	[sflag:s14] =	ssyncadd.s32 $0xFFFFC000  }
0x39: {  	[tilespmem:s20], [sflag:$0x2] =	stream.indirect.gather [spmem:s2], $0x80, s23, s18, $0xb8;
	[tilespmem:$0x1A500] =	vst v63  }
0x3a: {  	_ =	swait.ge [sflag:s28], $0x4000  }
0x3b: {  	[sflag:s28] =	ssyncset.done $0x0  }
0x3c: {  	s21 =	sadd.s32 $0x1000, s0;
	[sflag:s28] =	ssyncadd.s32 $0xFFFFC000  }
0x3d: {  	[hbm4b:s21+s3] =	stream.linear.scatter [tilespmem:s22], [sflag:$0x5], $0x4000, $0x38;
	[tilespmem:$0x1A500] =	vst v63  }
0x3e: {  	_ =	swait.ge [sflag:s14], $0x4000  }
0x3f: {  	[sflag:s14] =	ssyncset.done $0x0  }
0x40: {  	s23 =	simm.s32 $0x300;
	[sflag:s14] =	ssyncadd.s32 $0xFFFFC000  }
0x41: {  	[tilespmem:s22], [sflag:$0x3] =	stream.indirect.gather [spmem:s2], $0x80, s23, s18, $0xb8;
	[tilespmem:$0x1A500] =	vst v63  }
0x42: {  	_ =	swait.ge [sflag:s29], $0x4000  }
0x43: {  	[sflag:s29] =	ssyncset.done $0x0  }
0x44: {  	s0 =	sadd.s32 $0x1800, s0;
	[sflag:s29] =	ssyncadd.s32 $0xFFFFC000  }
0x45: {  	[hbm4b:s0+s3] =	stream.linear.scatter [tilespmem:s24], [sflag:$0x5], $0x4000, $0x38;
	[tilespmem:$0x1A500] =	vst v63  }
0x46: {  	_ =	swait.ge [sflag:s14], $0x4000  }
0x47: {  	s31 =	simm.s32 $0x380;
	[sflag:s14] =	ssyncset.done $0x0  }
0x48: {  	s1 =	simm.s32 $0x2000;
	s0 =	simm.s32 $0x580;
	[sflag:s14] =	ssyncadd.s32 $0xFFFFC000  }
.LBB2_2:
0x49: {  	[tilespmem:s24], [sflag:$0x4] =	stream.indirect.gather [spmem:s2], $0x80, s31, s18, $0xb8;
	[tilespmem:$0x1A500] =	vst v63  }
0x4a: {  	s21 =	smov.u32 s1;
	s31 =	smov.u32 s0  }
0x4b: {  	p1 =	sne.s32 s1, $0x24000;
	s1 =	sadd.s32 $0x2000, s1;
	_ =	swait.ge [sflag:s25], $0x4000  }
0x4c: {  	[sflag:s25] =	ssyncset.done $0x0  }
0x4d: {  	s23 =	sadd.s32 s21, s12;
	[sflag:s25] =	ssyncadd.s32 $0xFFFFC000  }
0x4e: {  	[hbm4b:s23+s3] =	stream.linear.scatter [tilespmem:s19], [sflag:$0x5], $0x4000, $0x38;
	[tilespmem:$0x1A500] =	vst v63  }
0x4f: {  	_ =	swait.ge [sflag:s14], $0x4000  }
0x50: {  	[sflag:s14] =	ssyncset.done $0x0  }
0x51: {  	s23 =	sadd.s32 $0xFFFFFE80, s0;
	[sflag:s14] =	ssyncadd.s32 $0xFFFFC000  }
0x52: {  	[tilespmem:s19], [sflag:$0x1] =	stream.indirect.gather [spmem:s2], $0x80, s23, s18, $0xb8;
	[tilespmem:$0x1A500] =	vst v63  }
0x53: {  	_ =	swait.ge [sflag:s26], $0x4000  }
0x54: {  	s21 =	sadd.s32 s21, s13;
	[sflag:s26] =	ssyncset.done $0x0  }
0x55: {  	s23 =	sadd.s32 $0x800, s21;
	[sflag:s26] =	ssyncadd.s32 $0xFFFFC000  }
0x56: {  	[hbm4b:s23+s3] =	stream.linear.scatter [tilespmem:s20], [sflag:$0x5], $0x4000, $0x38;
	[tilespmem:$0x1A500] =	vst v63  }
0x57: {  	_ =	swait.ge [sflag:s14], $0x4000  }
0x58: {  	[sflag:s14] =	ssyncset.done $0x0  }
0x59: {  	s23 =	sadd.s32 $0xFFFFFF00, s0;
	[sflag:s14] =	ssyncadd.s32 $0xFFFFC000  }
0x5a: {  	[tilespmem:s20], [sflag:$0x2] =	stream.indirect.gather [spmem:s2], $0x80, s23, s18, $0xb8;
	[tilespmem:$0x1A500] =	vst v63  }
0x5b: {  	_ =	swait.ge [sflag:s28], $0x4000  }
0x5c: {  	[sflag:s28] =	ssyncset.done $0x0  }
0x5d: {  	s23 =	sadd.s32 $0x1000, s21;
	[sflag:s28] =	ssyncadd.s32 $0xFFFFC000  }
0x5e: {  	[hbm4b:s23+s3] =	stream.linear.scatter [tilespmem:s22], [sflag:$0x5], $0x4000, $0x38;
	[tilespmem:$0x1A500] =	vst v63  }
0x5f: {  	_ =	swait.ge [sflag:s14], $0x4000  }
0x60: {  	[sflag:s14] =	ssyncset.done $0x0  }
0x61: {  	s23 =	sadd.s32 $0xFFFFFF80, s0;
	[sflag:s14] =	ssyncadd.s32 $0xFFFFC000  }
0x62: {  	[tilespmem:s22], [sflag:$0x3] =	stream.indirect.gather [spmem:s2], $0x80, s23, s18, $0xb8;
	[tilespmem:$0x1A500] =	vst v63  }
0x63: {  	_ =	swait.ge [sflag:s29], $0x4000  }
0x64: {  	[sflag:s29] =	ssyncset.done $0x0  }
.Ltmp0:
0x65: {  	s21 =	sadd.s32 $0x1800, s21;
	[sflag:s29] =	ssyncadd.s32 $0xFFFFC000;
	(pc) =	sbr.rel @p1 .LBB2_2-.Ltmp0, $4  }
0x66: {  	[hbm4b:s21+s3] =	stream.linear.scatter [tilespmem:s24], [sflag:$0x5], $0x4000, $0x38;
	[tilespmem:$0x1A500] =	vst v63  }
0x67: {  	_ =	swait.ge [sflag:s14], $0x4000  }
0x68: {  	[sflag:s14] =	ssyncset.done $0x0  }
0x69: {  	s0 =	sadd.s32 $0x200, s0;
	[sflag:s14] =	ssyncadd.s32 $0xFFFFC000  }
0x6a: {  	[tilespmem:s24], [sflag:$0x4] =	stream.indirect.gather [spmem:s2], $0x80, s31, s18, $0xb8;
	[tilespmem:$0x1A500] =	vst v63  }
0x6b: {  	_ =	swait.ge [sflag:s25], $0x4000  }
0x6c: {  	[sflag:s25] =	ssyncset.done $0x0  }
0x6d: {  	[sflag:s25] =	ssyncadd.s32 $0xFFFFC000  }
0x6e: {  	[hbm4b:s7+s3] =	stream.linear.scatter [tilespmem:s19], [sflag:$0x5], $0x4000, $0x38;
	[tilespmem:$0x1A500] =	vst v63  }
0x6f: {  	_ =	swait.ge [sflag:s14], $0x4000  }
0x70: {  	[sflag:s14] =	ssyncset.done $0x0  }
0x71: {  	[sflag:s14] =	ssyncadd.s32 $0xFFFFC000  }
0x72: {  	_ =	swait.ge [sflag:s26], $0x4000  }
0x73: {  	[sflag:s26] =	ssyncset.done $0x0  }
0x74: {  	[sflag:s26] =	ssyncadd.s32 $0xFFFFC000  }
0x75: {  	[hbm4b:s8+s3] =	stream.linear.scatter [tilespmem:s20], [sflag:$0x5], $0x4000, $0x38;
	[tilespmem:$0x1A500] =	vst v63  }
0x76: {  	_ =	swait.ge [sflag:s14], $0x4000  }
0x77: {  	[sflag:s14] =	ssyncset.done $0x0  }
0x78: {  	[sflag:s14] =	ssyncadd.s32 $0xFFFFC000  }
0x79: {  	_ =	swait.ge [sflag:s28], $0x4000  }
0x7a: {  	[sflag:s28] =	ssyncset.done $0x0  }
0x7b: {  	[sflag:s28] =	ssyncadd.s32 $0xFFFFC000  }
0x7c: {  	[hbm4b:s9+s3] =	stream.linear.scatter [tilespmem:s22], [sflag:$0x5], $0x4000, $0x38;
	[tilespmem:$0x1A500] =	vst v63  }
0x7d: {  	_ =	swait.ge [sflag:s14], $0x4000  }
0x7e: {  	[sflag:s14] =	ssyncset.done $0x0  }
0x7f: {  	[sflag:s14] =	ssyncadd.s32 $0xFFFFC000  }
0x80: {  	s30 =	sadd.s32 $0x1, s30;
	_ =	swait.ge [sflag:s29], $0x4000  }
0x81: {  	p1 =	sne.s32 s30, s11;
	[sflag:s29] =	ssyncset.done $0x0  }
.Ltmp1:
0x82: {  	[sflag:s29] =	ssyncadd.s32 $0xFFFFC000;
	(pc) =	sbr.rel @p1 .LBB2_1-.Ltmp1, $4  }
0x83: {  	[hbm4b:s10+s3] =	stream.linear.scatter [tilespmem:s24], [sflag:$0x5], $0x4000, $0x38;
	[tilespmem:$0x1A500] =	vst v63  }
0x84: {  	_ =	swait.ge [sflag:s14], $0x4000  }
0x85: {  	[sflag:s14] =	ssyncset.done $0x0  }
0x86: {  	[sflag:s14] =	ssyncadd.s32 $0xFFFFC000  }
0x87: {  	_ =	sfence.sel $0x180000  }
0x88: {  	[bflag:$0x0] =	sbarrier.arrive $0xFFFF  }
0x89: {  	_ =	strace $0x90000047  }
0x8a: {  	s0 =	stileid.u32;
	[bflag:$0x2] =	sbarrier.arrive $0xFFFF  }
0x8b: {  	p0 =	sne.s32 s0, $0x0;
	s0 =	rddreg [dreg:$0x4]  }
0x8c: {  	s0 =	sadd.s32 @!p0 $0x100000, s0  }
0x8d: {  	[sflag:s0] =	ssyncadd.tile.s32 @!p0 $0x1;
	_ =	shalt  }
.Lfunc_end2:
_tile_overlayer_lowered:
.L_overlay_start_2:
0x8e: {  	(tag) =	ssettag $0x2  }
0x8f: {  	s0 =	rddreg [dreg:$0x0];
	s2 =	stileid.u32  }
0x90: {  	s1 =	rddreg [dreg:$0x1];
	p0 =	sne.s32 s2, $0x0  }
0x91: {  	s3 =	rddreg [dreg:$0x2];
	[bflag:$0x3] =	sbarrier.arrive $0xFFFF;
	s2 =	simm.s32 @!p0 $0x1C05  }
0x92: {  	[timem:s3], [sflag:s2] =	dma.local @!p0 [hbm:s0], s1  }
0x93: {  	s0 =	simm.s32 @!p0 $0x5  }
0x94: {  	_ =	swait.ge @!p0 [sflag:s0], s1  }
0x95: {  	s1 =	ssub.s32 @!p0 $0x0, s1;
	[sflag:s0] =	ssyncset.done @!p0 $0x0  }
0x96: {  	[sflag:s0] =	ssyncadd.s32 @!p0 s1  }
0x97: {  	[bflag:$0x3] =	sbarrier.arrive $0xFFFF  }
0x98: {  	_ =	shalt  }

</sc_bundles>
